<compile_context>
chip_gen: v7x
topology: tpu7x:2x2x1
jax: 0.10.2.dev20260603
libtpu: 0.0.44.dev20260713+nightly
codegen_flags: <defaults>
</compile_context>

<pallas_src>
import jax
import jax.numpy as jnp
from jax import lax
from jax.experimental import pallas as pl
from jax.experimental.pallas import tpu as pltpu
from jax.experimental.pallas import tpu_sc as plsc

VOCAB_E = 100000
EMBED_E = 128
B_E = 4096
L_E = 50

NC = 2
NS = 16
NW = NC * NS

N_TOK = B_E * L_E
PER_W = N_TOK // NW
CH = 256
NCHUNK = PER_W // CH
ROW_CH = B_E // CH


def _emb_body(tokens_hbm, table_hbm, out_hbm, idx0, idx1, rows0, rows1,
              isem0, isem1, gsem0, gsem1, osem0, osem1):
  wid = lax.axis_index("s") * NC + lax.axis_index("c")
  gc0 = wid * NCHUNK

  idx = (idx0, idx1)
  rows = (rows0, rows1)
  isem = (isem0, isem1)
  gsem = (gsem0, gsem1)
  osem = (osem0, osem1)

  def load_idx(b, c):
    gc = gc0 + c
    pltpu.async_copy(tokens_hbm.at[gc // ROW_CH, pl.ds((gc % ROW_CH) * CH, CH)],
                     idx[b], isem[b])

  def wait_idx(b):
    pltpu.make_async_copy(tokens_hbm.at[0, pl.ds(0, CH)], idx[b],
                          isem[b]).wait()

  def wait_write(b):
    pltpu.make_async_copy(rows[b], out_hbm.at[pl.ds(0, CH)], osem[b]).wait()

  def wait_gather(b):
    pltpu.make_async_copy(table_hbm.at[idx[b]], rows[b], gsem[b]).wait()

  def gather(b):
    pltpu.async_copy(table_hbm.at[idx[b]], rows[b], gsem[b])

  def write_out(b, c):
    pltpu.async_copy(rows[b], out_hbm.at[pl.ds((gc0 + c) * CH, CH)], osem[b])

  def write_back(b, c):
    wait_gather(b)
    write_out(b, c)
    load_idx(b, c + 2)

  load_idx(0, 0)
  load_idx(1, 1)
  wait_idx(0)
  gather(0)
  wait_idx(1)
  gather(1)
  write_back(0, 0)

  def pair(k, carry):
    c = 2 * k
    wait_idx(0)
    wait_write(0)
    gather(0)
    write_back(1, c - 1)
    wait_idx(1)
    wait_write(1)
    gather(1)
    write_back(0, c)
    return carry

  lax.fori_loop(1, NCHUNK // 2, pair, 0, unroll=False)

  cl = NCHUNK - 1
  wait_idx(0)
  wait_write(0)
  gather(0)
  wait_gather(1)
  write_out(1, cl - 1)
  wait_gather(0)
  write_out(0, cl)
  wait_write(0)
  wait_write(1)


@jax.jit
def _embed(tokens_t, table):
  k = pl.kernel(
      _emb_body,
      out_type=jax.ShapeDtypeStruct((N_TOK, EMBED_E), jnp.float32),
      mesh=plsc.VectorSubcoreMesh(core_axis_name="c", subcore_axis_name="s"),
      scratch_types=(
          [pltpu.VMEM((CH,), jnp.int32) for _ in range(2)]
          + [pltpu.VMEM((CH, EMBED_E), jnp.float32) for _ in range(2)]
          + [pltpu.SemaphoreType.DMA] * 6
      ),
  )
  return k(tokens_t, table)


def kernel(tokens, table):
  tokens_t = jnp.transpose(tokens).astype(jnp.int32)
  out = _embed(tokens_t, table)
  return jnp.transpose(out.reshape(L_E, B_E, EMBED_E), (1, 0, 2))

# --- scband reference (transcript-rebuilt; emitter-appended) ---
"""Pipeline reference for scband-token-embedding-3341484557043 (READ-ONLY COPY).

The authoritative reference and input builder live on the scoring server;
editing this copy changes nothing except your own understanding.
"""

import jax, jax.numpy as jnp
import numpy as np

VOCAB = 100000
EMBED = 128
B = 4096
L = 50

def setup_inputs(seed: int = 0) -> dict:
    key = jax.random.key(seed)
    k1, k2 = jax.random.split(key)
    tokens = jax.random.randint(k1, (B, L), 0, VOCAB, dtype=jnp.int64 if jax.config.jax_enable_x64 else jnp.int32)
    table = jax.random.normal(k2, (VOCAB, EMBED), dtype=jnp.float32)
    return {"tokens": tokens, "table": table}

def reference(tokens, table):
    # TokenEmbedding.forward: self.embedding(tokens.long())
    idx = tokens.astype(jnp.int32)
    return jnp.take(table, idx, axis=0)

if __name__ == "__main__":
    import jax
    _d = setup_inputs()
    print(jax.jit(kernel)(*tuple(_d.values())))

</pallas_src>

<mosaic_0001>
#map = affine_map<(d0, d1) -> (0, 0)>
module attributes {stable_mosaic.version = 14 : i64} {
  func.func @_emb_body(%arg0: i32, %arg1: i32, %arg2: memref<50x4096xi32, #tpu.memory_space<hbm>>, %arg3: memref<100000x128xf32, #tpu.memory_space<hbm>>, %arg4: memref<204800x128xf32, #tpu.memory_space<hbm>>, %arg5: memref<256xi32, #tpu.memory_space<vmem>>, %arg6: memref<256xi32, #tpu.memory_space<vmem>>, %arg7: memref<256x128xf32, #tpu.memory_space<vmem>>, %arg8: memref<256x128xf32, #tpu.memory_space<vmem>>, %arg9: memref<!tpu.dma_semaphore, #tpu.memory_space<semaphore_mem>>, %arg10: memref<!tpu.dma_semaphore, #tpu.memory_space<semaphore_mem>>, %arg11: memref<!tpu.dma_semaphore, #tpu.memory_space<semaphore_mem>>, %arg12: memref<!tpu.dma_semaphore, #tpu.memory_space<semaphore_mem>>, %arg13: memref<!tpu.dma_semaphore, #tpu.memory_space<semaphore_mem>>, %arg14: memref<!tpu.dma_semaphore, #tpu.memory_space<semaphore_mem>>) attributes {dimension_semantics = [#tpu.dimension_semantics<core_parallel>, #tpu.dimension_semantics<subcore_parallel>], iteration_bounds = array<i64: 2, 16>, scalar_prefetch = 0 : i64, scratch_operands = 10 : i64, tpu.core_type = #tpu.core_type<sc_vector_subcore>, window_params = [{transform_indices = #map}, {transform_indices = #map}, {transform_indices = #map}]} {
    %mul3A = arith.constant 2 : i32
    %mul3A_0 = arith.muli %arg1, %mul3A : i32
    %add3A = arith.addi %mul3A_0, %arg0 : i32
    %mul3A_1 = arith.constant 25 : i32
    %mul3A_2 = arith.muli %add3A, %mul3A_1 : i32
    %add3A_3 = arith.constant 0 : i32
    %add3A_4 = arith.addi %mul3A_2, %add3A_3 : i32
    %jit3A = arith.constant 16 : i32
    %div3A = arith.divsi %add3A_4, %jit3A : i32
    %sign3A = arith.constant 0 : i32
    %sign3A_5 = arith.cmpi sgt, %add3A_4, %sign3A : i32
    %sign3A_6 = arith.extui %sign3A_5 : i1 to i32
    %sign3A_7 = arith.constant 0 : i32
    %sign3A_8 = arith.cmpi slt, %add3A_4, %sign3A_7 : i32
    %sign3A_9 = arith.extui %sign3A_8 : i1 to i32
    %sign3A_10 = arith.subi %sign3A_6, %sign3A_9 : i32
    %sign3A_11 = arith.constant 0 : i32
    %sign3A_12 = arith.cmpi sgt, %jit3A, %sign3A_11 : i32
    %sign3A_13 = arith.extui %sign3A_12 : i1 to i32
    %sign3A_14 = arith.constant 0 : i32
    %sign3A_15 = arith.cmpi slt, %jit3A, %sign3A_14 : i32
    %sign3A_16 = arith.extui %sign3A_15 : i1 to i32
    %sign3A_17 = arith.subi %sign3A_13, %sign3A_16 : i32
    %ne3A = arith.cmpi ne, %sign3A_10, %sign3A_17 : i32
    %rem3A = arith.remsi %add3A_4, %jit3A : i32
    %ne3A_18 = arith.constant 0 : i32
    %ne3A_19 = arith.cmpi ne, %rem3A, %ne3A_18 : i32
    %and3A = arith.andi %ne3A, %ne3A_19 : i1
    %sub3A = arith.constant 1 : i32
    %sub3A_20 = arith.subi %div3A, %sub3A : i32
    %select_n3A = arith.select %and3A, %sub3A_20, %div3A : i32
    %jit3A_21 = arith.constant 16 : i32
    %eq3A = arith.constant 0 : i32
    %eq3A_22 = arith.cmpi eq, %jit3A_21, %eq3A : i32
    %jit3A_23 = arith.constant 1 : i32
    %select_n3A_24 = arith.select %eq3A_22, %jit3A_23, %jit3A_21 : i32
    %rem3A_25 = arith.remsi %add3A_4, %select_n3A_24 : i32
    %ne3A_26 = arith.constant 0 : i32
    %ne3A_27 = arith.cmpi ne, %rem3A_25, %ne3A_26 : i32
    %lt3A = arith.constant 0 : i32
    %lt3A_28 = arith.cmpi slt, %rem3A_25, %lt3A : i32
    %lt3A_29 = arith.constant 0 : i32
    %lt3A_30 = arith.cmpi slt, %select_n3A_24, %lt3A_29 : i32
    %ne3A_31 = arith.xori %lt3A_28, %lt3A_30 : i1
    %and3A_32 = arith.andi %ne3A_31, %ne3A_27 : i1
    %add3A_33 = arith.addi %rem3A_25, %select_n3A_24 : i32
    %select_n3A_34 = arith.select %and3A_32, %add3A_33, %rem3A_25 : i32
    %mul3A_35 = arith.constant 256 : i32
    %mul3A_36 = arith.muli %select_n3A_34, %mul3A_35 : i32
    %dma_start3A = tpu.memref_slice %arg2[%select_n3A, %mul3A_36] : memref<50x4096xi32, #tpu.memory_space<hbm>> -> memref<1x256xi32, #tpu.memory_space<hbm>>
    %dma_start3A_37 = tpu.memref_squeeze %dma_start3A : memref<1x256xi32, #tpu.memory_space<hbm>> -> memref<256xi32, #tpu.memory_space<hbm>>
    %dma_start3A_38 = tpu.memref_slice %arg2[%select_n3A, %mul3A_36] : memref<50x4096xi32, #tpu.memory_space<hbm>> -> memref<1x256xi32, #tpu.memory_space<hbm>>
    %dma_start3A_39 = tpu.memref_squeeze %dma_start3A_38 : memref<1x256xi32, #tpu.memory_space<hbm>> -> memref<256xi32, #tpu.memory_space<hbm>>
    tpu.enqueue_dma source(%dma_start3A_39 : memref<256xi32, #tpu.memory_space<hbm>>) target(%arg5 : memref<256xi32, #tpu.memory_space<vmem>>) target_semaphore(%arg9 : memref<!tpu.dma_semaphore, #tpu.memory_space<semaphore_mem>>)
    %add3A_40 = arith.constant 1 : i32
    %add3A_41 = arith.addi %mul3A_2, %add3A_40 : i32
    %jit3A_42 = arith.constant 16 : i32
    %div3A_43 = arith.divsi %add3A_41, %jit3A_42 : i32
    %sign3A_44 = arith.constant 0 : i32
    %sign3A_45 = arith.cmpi sgt, %add3A_41, %sign3A_44 : i32
    %sign3A_46 = arith.extui %sign3A_45 : i1 to i32
    %sign3A_47 = arith.constant 0 : i32
    %sign3A_48 = arith.cmpi slt, %add3A_41, %sign3A_47 : i32
    %sign3A_49 = arith.extui %sign3A_48 : i1 to i32
    %sign3A_50 = arith.subi %sign3A_46, %sign3A_49 : i32
    %sign3A_51 = arith.constant 0 : i32
    %sign3A_52 = arith.cmpi sgt, %jit3A_42, %sign3A_51 : i32
    %sign3A_53 = arith.extui %sign3A_52 : i1 to i32
    %sign3A_54 = arith.constant 0 : i32
    %sign3A_55 = arith.cmpi slt, %jit3A_42, %sign3A_54 : i32
    %sign3A_56 = arith.extui %sign3A_55 : i1 to i32
    %sign3A_57 = arith.subi %sign3A_53, %sign3A_56 : i32
    %ne3A_58 = arith.cmpi ne, %sign3A_50, %sign3A_57 : i32
    %rem3A_59 = arith.remsi %add3A_41, %jit3A_42 : i32
    %ne3A_60 = arith.constant 0 : i32
    %ne3A_61 = arith.cmpi ne, %rem3A_59, %ne3A_60 : i32
    %and3A_62 = arith.andi %ne3A_58, %ne3A_61 : i1
    %sub3A_63 = arith.constant 1 : i32
    %sub3A_64 = arith.subi %div3A_43, %sub3A_63 : i32
    %select_n3A_65 = arith.select %and3A_62, %sub3A_64, %div3A_43 : i32
    %jit3A_66 = arith.constant 16 : i32
    %eq3A_67 = arith.constant 0 : i32
    %eq3A_68 = arith.cmpi eq, %jit3A_66, %eq3A_67 : i32
    %jit3A_69 = arith.constant 1 : i32
    %select_n3A_70 = arith.select %eq3A_68, %jit3A_69, %jit3A_66 : i32
    %rem3A_71 = arith.remsi %add3A_41, %select_n3A_70 : i32
    %ne3A_72 = arith.constant 0 : i32
    %ne3A_73 = arith.cmpi ne, %rem3A_71, %ne3A_72 : i32
    %lt3A_74 = arith.constant 0 : i32
    %lt3A_75 = arith.cmpi slt, %rem3A_71, %lt3A_74 : i32
    %lt3A_76 = arith.constant 0 : i32
    %lt3A_77 = arith.cmpi slt, %select_n3A_70, %lt3A_76 : i32
    %ne3A_78 = arith.xori %lt3A_75, %lt3A_77 : i1
    %and3A_79 = arith.andi %ne3A_78, %ne3A_73 : i1
    %add3A_80 = arith.addi %rem3A_71, %select_n3A_70 : i32
    %select_n3A_81 = arith.select %and3A_79, %add3A_80, %rem3A_71 : i32
    %mul3A_82 = arith.constant 256 : i32
    %mul3A_83 = arith.muli %select_n3A_81, %mul3A_82 : i32
    %dma_start3A_84 = tpu.memref_slice %arg2[%select_n3A_65, %mul3A_83] : memref<50x4096xi32, #tpu.memory_space<hbm>> -> memref<1x256xi32, #tpu.memory_space<hbm>>
    %dma_start3A_85 = tpu.memref_squeeze %dma_start3A_84 : memref<1x256xi32, #tpu.memory_space<hbm>> -> memref<256xi32, #tpu.memory_space<hbm>>
    %dma_start3A_86 = tpu.memref_slice %arg2[%select_n3A_65, %mul3A_83] : memref<50x4096xi32, #tpu.memory_space<hbm>> -> memref<1x256xi32, #tpu.memory_space<hbm>>
    %dma_start3A_87 = tpu.memref_squeeze %dma_start3A_86 : memref<1x256xi32, #tpu.memory_space<hbm>> -> memref<256xi32, #tpu.memory_space<hbm>>
    tpu.enqueue_dma source(%dma_start3A_87 : memref<256xi32, #tpu.memory_space<hbm>>) target(%arg6 : memref<256xi32, #tpu.memory_space<vmem>>) target_semaphore(%arg10 : memref<!tpu.dma_semaphore, #tpu.memory_space<semaphore_mem>>)
    %dma_wait3A = arith.constant 0 : i32
    %dma_wait3A_88 = arith.constant 0 : i32
    %dma_wait3A_89 = tpu.memref_slice %arg2[%dma_wait3A, %dma_wait3A_88] : memref<50x4096xi32, #tpu.memory_space<hbm>> -> memref<1x256xi32, #tpu.memory_space<hbm>>
    %dma_wait3A_90 = tpu.memref_squeeze %dma_wait3A_89 : memref<1x256xi32, #tpu.memory_space<hbm>> -> memref<256xi32, #tpu.memory_space<hbm>>
    %dma_wait3A_91 = arith.constant 0 : i32
    %dma_wait3A_92 = tpu.memref_slice %arg2[%dma_wait3A, %dma_wait3A_91] : memref<50x4096xi32, #tpu.memory_space<hbm>> -> memref<1x256xi32, #tpu.memory_space<hbm>>
    %dma_wait3A_93 = tpu.memref_squeeze %dma_wait3A_92 : memref<1x256xi32, #tpu.memory_space<hbm>> -> memref<256xi32, #tpu.memory_space<hbm>>
    tpu.wait_dma2 semaphore(%arg9 : memref<!tpu.dma_semaphore, #tpu.memory_space<semaphore_mem>>) src(%dma_wait3A_93 : memref<256xi32, #tpu.memory_space<hbm>>) dst(%arg5 : memref<256xi32, #tpu.memory_space<vmem>>)
    %dma_start3A_94 = arith.constant 0 : i32
    %dma_start3A_95 = arith.constant 0 : i32
    %dma_start3A_96 = tpu.memref_slice %arg3[%dma_start3A_94, %dma_start3A_95] : memref<100000x128xf32, #tpu.memory_space<hbm>> -> memref<100000x128xf32, #tpu.memory_space<hbm>>
    tpu.enqueue_indirect_dma source(%dma_start3A_96 : memref<100000x128xf32, #tpu.memory_space<hbm>>) target(%arg7 : memref<256x128xf32, #tpu.memory_space<vmem>>) offsets(%arg5 : memref<256xi32, #tpu.memory_space<vmem>>) semaphore(%arg11 : memref<!tpu.dma_semaphore, #tpu.memory_space<semaphore_mem>>)
    %dma_wait3A_97 = arith.constant 0 : i32
    %dma_wait3A_98 = arith.constant 0 : i32
    %dma_wait3A_99 = tpu.memref_slice %arg2[%dma_wait3A_97, %dma_wait3A_98] : memref<50x4096xi32, #tpu.memory_space<hbm>> -> memref<1x256xi32, #tpu.memory_space<hbm>>
    %dma_wait3A_100 = tpu.memref_squeeze %dma_wait3A_99 : memref<1x256xi32, #tpu.memory_space<hbm>> -> memref<256xi32, #tpu.memory_space<hbm>>
    %dma_wait3A_101 = arith.constant 0 : i32
    %dma_wait3A_102 = tpu.memref_slice %arg2[%dma_wait3A_97, %dma_wait3A_101] : memref<50x4096xi32, #tpu.memory_space<hbm>> -> memref<1x256xi32, #tpu.memory_space<hbm>>
    %dma_wait3A_103 = tpu.memref_squeeze %dma_wait3A_102 : memref<1x256xi32, #tpu.memory_space<hbm>> -> memref<256xi32, #tpu.memory_space<hbm>>
    tpu.wait_dma2 semaphore(%arg10 : memref<!tpu.dma_semaphore, #tpu.memory_space<semaphore_mem>>) src(%dma_wait3A_103 : memref<256xi32, #tpu.memory_space<hbm>>) dst(%arg6 : memref<256xi32, #tpu.memory_space<vmem>>)
    %dma_start3A_104 = arith.constant 0 : i32
    %dma_start3A_105 = arith.constant 0 : i32
    %dma_start3A_106 = tpu.memref_slice %arg3[%dma_start3A_104, %dma_start3A_105] : memref<100000x128xf32, #tpu.memory_space<hbm>> -> memref<100000x128xf32, #tpu.memory_space<hbm>>
    tpu.enqueue_indirect_dma source(%dma_start3A_106 : memref<100000x128xf32, #tpu.memory_space<hbm>>) target(%arg8 : memref<256x128xf32, #tpu.memory_space<vmem>>) offsets(%arg6 : memref<256xi32, #tpu.memory_space<vmem>>) semaphore(%arg12 : memref<!tpu.dma_semaphore, #tpu.memory_space<semaphore_mem>>)
    %dma_wait3A_107 = arith.constant 0 : i32
    %dma_wait3A_108 = arith.constant 0 : i32
    %dma_wait3A_109 = tpu.memref_slice %arg3[%dma_wait3A_107, %dma_wait3A_108] : memref<100000x128xf32, #tpu.memory_space<hbm>> -> memref<100000x128xf32, #tpu.memory_space<hbm>>
    tpu.wait_indirect_dma semaphore(%arg11 : memref<!tpu.dma_semaphore, #tpu.memory_space<semaphore_mem>>) src(%dma_wait3A_109 : memref<100000x128xf32, #tpu.memory_space<hbm>>) dst(%arg7 : memref<256x128xf32, #tpu.memory_space<vmem>>)
    %add3A_110 = arith.constant 0 : i32
    %add3A_111 = arith.addi %mul3A_2, %add3A_110 : i32
    %mul3A_112 = arith.constant 256 : i32
    %mul3A_113 = arith.muli %add3A_111, %mul3A_112 : i32
    %dma_start3A_114 = arith.constant 0 : i32
    %dma_start3A_115 = tpu.memref_slice %arg4[%mul3A_113, %dma_start3A_114] : memref<204800x128xf32, #tpu.memory_space<hbm>> -> memref<256x128xf32, #tpu.memory_space<hbm>>
    %dma_start3A_116 = arith.constant 0 : i32
    %dma_start3A_117 = tpu.memref_slice %arg4[%mul3A_113, %dma_start3A_116] : memref<204800x128xf32, #tpu.memory_space<hbm>> -> memref<256x128xf32, #tpu.memory_space<hbm>>
    tpu.enqueue_dma source(%arg7 : memref<256x128xf32, #tpu.memory_space<vmem>>) target(%dma_start3A_117 : memref<256x128xf32, #tpu.memory_space<hbm>>) target_semaphore(%arg13 : memref<!tpu.dma_semaphore, #tpu.memory_space<semaphore_mem>>)
    %add3A_118 = arith.constant 2 : i32
    %add3A_119 = arith.addi %mul3A_2, %add3A_118 : i32
    %jit3A_120 = arith.constant 16 : i32
    %div3A_121 = arith.divsi %add3A_119, %jit3A_120 : i32
    %sign3A_122 = arith.constant 0 : i32
    %sign3A_123 = arith.cmpi sgt, %add3A_119, %sign3A_122 : i32
    %sign3A_124 = arith.extui %sign3A_123 : i1 to i32
    %sign3A_125 = arith.constant 0 : i32
    %sign3A_126 = arith.cmpi slt, %add3A_119, %sign3A_125 : i32
    %sign3A_127 = arith.extui %sign3A_126 : i1 to i32
    %sign3A_128 = arith.subi %sign3A_124, %sign3A_127 : i32
    %sign3A_129 = arith.constant 0 : i32
    %sign3A_130 = arith.cmpi sgt, %jit3A_120, %sign3A_129 : i32
    %sign3A_131 = arith.extui %sign3A_130 : i1 to i32
    %sign3A_132 = arith.constant 0 : i32
    %sign3A_133 = arith.cmpi slt, %jit3A_120, %sign3A_132 : i32
    %sign3A_134 = arith.extui %sign3A_133 : i1 to i32
    %sign3A_135 = arith.subi %sign3A_131, %sign3A_134 : i32
    %ne3A_136 = arith.cmpi ne, %sign3A_128, %sign3A_135 : i32
    %rem3A_137 = arith.remsi %add3A_119, %jit3A_120 : i32
    %ne3A_138 = arith.constant 0 : i32
    %ne3A_139 = arith.cmpi ne, %rem3A_137, %ne3A_138 : i32
    %and3A_140 = arith.andi %ne3A_136, %ne3A_139 : i1
    %sub3A_141 = arith.constant 1 : i32
    %sub3A_142 = arith.subi %div3A_121, %sub3A_141 : i32
    %select_n3A_143 = arith.select %and3A_140, %sub3A_142, %div3A_121 : i32
    %jit3A_144 = arith.constant 16 : i32
    %eq3A_145 = arith.constant 0 : i32
    %eq3A_146 = arith.cmpi eq, %jit3A_144, %eq3A_145 : i32
    %jit3A_147 = arith.constant 1 : i32
    %select_n3A_148 = arith.select %eq3A_146, %jit3A_147, %jit3A_144 : i32
    %rem3A_149 = arith.remsi %add3A_119, %select_n3A_148 : i32
    %ne3A_150 = arith.constant 0 : i32
    %ne3A_151 = arith.cmpi ne, %rem3A_149, %ne3A_150 : i32
    %lt3A_152 = arith.constant 0 : i32
    %lt3A_153 = arith.cmpi slt, %rem3A_149, %lt3A_152 : i32
    %lt3A_154 = arith.constant 0 : i32
    %lt3A_155 = arith.cmpi slt, %select_n3A_148, %lt3A_154 : i32
    %ne3A_156 = arith.xori %lt3A_153, %lt3A_155 : i1
    %and3A_157 = arith.andi %ne3A_156, %ne3A_151 : i1
    %add3A_158 = arith.addi %rem3A_149, %select_n3A_148 : i32
    %select_n3A_159 = arith.select %and3A_157, %add3A_158, %rem3A_149 : i32
    %mul3A_160 = arith.constant 256 : i32
    %mul3A_161 = arith.muli %select_n3A_159, %mul3A_160 : i32
    %dma_start3A_162 = tpu.memref_slice %arg2[%select_n3A_143, %mul3A_161] : memref<50x4096xi32, #tpu.memory_space<hbm>> -> memref<1x256xi32, #tpu.memory_space<hbm>>
    %dma_start3A_163 = tpu.memref_squeeze %dma_start3A_162 : memref<1x256xi32, #tpu.memory_space<hbm>> -> memref<256xi32, #tpu.memory_space<hbm>>
    %dma_start3A_164 = tpu.memref_slice %arg2[%select_n3A_143, %mul3A_161] : memref<50x4096xi32, #tpu.memory_space<hbm>> -> memref<1x256xi32, #tpu.memory_space<hbm>>
    %dma_start3A_165 = tpu.memref_squeeze %dma_start3A_164 : memref<1x256xi32, #tpu.memory_space<hbm>> -> memref<256xi32, #tpu.memory_space<hbm>>
    tpu.enqueue_dma source(%dma_start3A_165 : memref<256xi32, #tpu.memory_space<hbm>>) target(%arg5 : memref<256xi32, #tpu.memory_space<vmem>>) target_semaphore(%arg9 : memref<!tpu.dma_semaphore, #tpu.memory_space<semaphore_mem>>)
    %scan3A = arith.constant 0 : i32
    %scan3A_166 = arith.constant 1 : i32
    %scan3A_167 = arith.constant 11 : i32
    %scan3A_168 = arith.addi %scan3A_166, %scan3A_167 : i32
    %scan3A_169 = arith.constant 1 : i32
    scf.for %scan3A_221 = %scan3A_166 to %scan3A_168 step %scan3A_169  : i32 {
      %mul3A_222 = arith.constant 2 : i32
      %mul3A_223 = arith.muli %mul3A_222, %scan3A_221 : i32
      %dma_wait3A_224 = arith.constant 0 : i32
      %dma_wait3A_225 = arith.constant 0 : i32
      %dma_wait3A_226 = tpu.memref_slice %arg2[%dma_wait3A_224, %dma_wait3A_225] : memref<50x4096xi32, #tpu.memory_space<hbm>> -> memref<1x256xi32, #tpu.memory_space<hbm>>
      %dma_wait3A_227 = tpu.memref_squeeze %dma_wait3A_226 : memref<1x256xi32, #tpu.memory_space<hbm>> -> memref<256xi32, #tpu.memory_space<hbm>>
      %dma_wait3A_228 = arith.constant 0 : i32
      %dma_wait3A_229 = tpu.memref_slice %arg2[%dma_wait3A_224, %dma_wait3A_228] : memref<50x4096xi32, #tpu.memory_space<hbm>> -> memref<1x256xi32, #tpu.memory_space<hbm>>
      %dma_wait3A_230 = tpu.memref_squeeze %dma_wait3A_229 : memref<1x256xi32, #tpu.memory_space<hbm>> -> memref<256xi32, #tpu.memory_space<hbm>>
      tpu.wait_dma2 semaphore(%arg9 : memref<!tpu.dma_semaphore, #tpu.memory_space<semaphore_mem>>) src(%dma_wait3A_230 : memref<256xi32, #tpu.memory_space<hbm>>) dst(%arg5 : memref<256xi32, #tpu.memory_space<vmem>>)
      %dma_wait3A_231 = arith.constant 0 : i32
      %dma_wait3A_232 = arith.constant 0 : i32
      %dma_wait3A_233 = tpu.memref_slice %arg4[%dma_wait3A_231, %dma_wait3A_232] : memref<204800x128xf32, #tpu.memory_space<hbm>> -> memref<256x128xf32, #tpu.memory_space<hbm>>
      %dma_wait3A_234 = arith.constant 0 : i32
      %dma_wait3A_235 = arith.constant 0 : i32
      %dma_wait3A_236 = tpu.memref_slice %arg4[%dma_wait3A_234, %dma_wait3A_235] : memref<204800x128xf32, #tpu.memory_space<hbm>> -> memref<256x128xf32, #tpu.memory_space<hbm>>
      tpu.wait_dma2 semaphore(%arg13 : memref<!tpu.dma_semaphore, #tpu.memory_space<semaphore_mem>>) src(%arg7 : memref<256x128xf32, #tpu.memory_space<vmem>>) dst(%dma_wait3A_236 : memref<256x128xf32, #tpu.memory_space<hbm>>)
      %dma_start3A_237 = arith.constant 0 : i32
      %dma_start3A_238 = arith.constant 0 : i32
      %dma_start3A_239 = tpu.memref_slice %arg3[%dma_start3A_237, %dma_start3A_238] : memref<100000x128xf32, #tpu.memory_space<hbm>> -> memref<100000x128xf32, #tpu.memory_space<hbm>>
      tpu.enqueue_indirect_dma source(%dma_start3A_239 : memref<100000x128xf32, #tpu.memory_space<hbm>>) target(%arg7 : memref<256x128xf32, #tpu.memory_space<vmem>>) offsets(%arg5 : memref<256xi32, #tpu.memory_space<vmem>>) semaphore(%arg11 : memref<!tpu.dma_semaphore, #tpu.memory_space<semaphore_mem>>)
      %sub3A_240 = arith.constant 1 : i32
      %sub3A_241 = arith.subi %mul3A_223, %sub3A_240 : i32
      %dma_wait3A_242 = arith.constant 0 : i32
      %dma_wait3A_243 = arith.constant 0 : i32
      %dma_wait3A_244 = tpu.memref_slice %arg3[%dma_wait3A_242, %dma_wait3A_243] : memref<100000x128xf32, #tpu.memory_space<hbm>> -> memref<100000x128xf32, #tpu.memory_space<hbm>>
      tpu.wait_indirect_dma semaphore(%arg12 : memref<!tpu.dma_semaphore, #tpu.memory_space<semaphore_mem>>) src(%dma_wait3A_244 : memref<100000x128xf32, #tpu.memory_space<hbm>>) dst(%arg8 : memref<256x128xf32, #tpu.memory_space<vmem>>)
      %add3A_245 = arith.addi %mul3A_2, %sub3A_241 : i32
      %mul3A_246 = arith.constant 256 : i32
      %mul3A_247 = arith.muli %add3A_245, %mul3A_246 : i32
      %dma_start3A_248 = arith.constant 0 : i32
      %dma_start3A_249 = tpu.memref_slice %arg4[%mul3A_247, %dma_start3A_248] : memref<204800x128xf32, #tpu.memory_space<hbm>> -> memref<256x128xf32, #tpu.memory_space<hbm>>
      %dma_start3A_250 = arith.constant 0 : i32
      %dma_start3A_251 = tpu.memref_slice %arg4[%mul3A_247, %dma_start3A_250] : memref<204800x128xf32, #tpu.memory_space<hbm>> -> memref<256x128xf32, #tpu.memory_space<hbm>>
      tpu.enqueue_dma source(%arg8 : memref<256x128xf32, #tpu.memory_space<vmem>>) target(%dma_start3A_251 : memref<256x128xf32, #tpu.memory_space<hbm>>) target_semaphore(%arg14 : memref<!tpu.dma_semaphore, #tpu.memory_space<semaphore_mem>>)
      %add3A_252 = arith.constant 2 : i32
      %add3A_253 = arith.addi %sub3A_241, %add3A_252 : i32
      %add3A_254 = arith.addi %mul3A_2, %add3A_253 : i32
      %jit3A_255 = arith.constant 16 : i32
      %div3A_256 = arith.divsi %add3A_254, %jit3A_255 : i32
      %sign3A_257 = arith.constant 0 : i32
      %sign3A_258 = arith.cmpi sgt, %add3A_254, %sign3A_257 : i32
      %sign3A_259 = arith.extui %sign3A_258 : i1 to i32
      %sign3A_260 = arith.constant 0 : i32
      %sign3A_261 = arith.cmpi slt, %add3A_254, %sign3A_260 : i32
      %sign3A_262 = arith.extui %sign3A_261 : i1 to i32
      %sign3A_263 = arith.subi %sign3A_259, %sign3A_262 : i32
      %sign3A_264 = arith.constant 0 : i32
      %sign3A_265 = arith.cmpi sgt, %jit3A_255, %sign3A_264 : i32
      %sign3A_266 = arith.extui %sign3A_265 : i1 to i32
      %sign3A_267 = arith.constant 0 : i32
      %sign3A_268 = arith.cmpi slt, %jit3A_255, %sign3A_267 : i32
      %sign3A_269 = arith.extui %sign3A_268 : i1 to i32
      %sign3A_270 = arith.subi %sign3A_266, %sign3A_269 : i32
      %ne3A_271 = arith.cmpi ne, %sign3A_263, %sign3A_270 : i32
      %rem3A_272 = arith.remsi %add3A_254, %jit3A_255 : i32
      %ne3A_273 = arith.constant 0 : i32
      %ne3A_274 = arith.cmpi ne, %rem3A_272, %ne3A_273 : i32
      %and3A_275 = arith.andi %ne3A_271, %ne3A_274 : i1
      %sub3A_276 = arith.constant 1 : i32
      %sub3A_277 = arith.subi %div3A_256, %sub3A_276 : i32
      %select_n3A_278 = arith.select %and3A_275, %sub3A_277, %div3A_256 : i32
      %jit3A_279 = arith.constant 16 : i32
      %eq3A_280 = arith.constant 0 : i32
      %eq3A_281 = arith.cmpi eq, %jit3A_279, %eq3A_280 : i32
      %jit3A_282 = arith.constant 1 : i32
      %select_n3A_283 = arith.select %eq3A_281, %jit3A_282, %jit3A_279 : i32
      %rem3A_284 = arith.remsi %add3A_254, %select_n3A_283 : i32
      %ne3A_285 = arith.constant 0 : i32
      %ne3A_286 = arith.cmpi ne, %rem3A_284, %ne3A_285 : i32
      %lt3A_287 = arith.constant 0 : i32
      %lt3A_288 = arith.cmpi slt, %rem3A_284, %lt3A_287 : i32
      %lt3A_289 = arith.constant 0 : i32
      %lt3A_290 = arith.cmpi slt, %select_n3A_283, %lt3A_289 : i32
      %ne3A_291 = arith.xori %lt3A_288, %lt3A_290 : i1
      %and3A_292 = arith.andi %ne3A_291, %ne3A_286 : i1
      %add3A_293 = arith.addi %rem3A_284, %select_n3A_283 : i32
      %select_n3A_294 = arith.select %and3A_292, %add3A_293, %rem3A_284 : i32
      %mul3A_295 = arith.constant 256 : i32
      %mul3A_296 = arith.muli %select_n3A_294, %mul3A_295 : i32
      %dma_start3A_297 = tpu.memref_slice %arg2[%select_n3A_278, %mul3A_296] : memref<50x4096xi32, #tpu.memory_space<hbm>> -> memref<1x256xi32, #tpu.memory_space<hbm>>
      %dma_start3A_298 = tpu.memref_squeeze %dma_start3A_297 : memref<1x256xi32, #tpu.memory_space<hbm>> -> memref<256xi32, #tpu.memory_space<hbm>>
      %dma_start3A_299 = tpu.memref_slice %arg2[%select_n3A_278, %mul3A_296] : memref<50x4096xi32, #tpu.memory_space<hbm>> -> memref<1x256xi32, #tpu.memory_space<hbm>>
      %dma_start3A_300 = tpu.memref_squeeze %dma_start3A_299 : memref<1x256xi32, #tpu.memory_space<hbm>> -> memref<256xi32, #tpu.memory_space<hbm>>
      tpu.enqueue_dma source(%dma_start3A_300 : memref<256xi32, #tpu.memory_space<hbm>>) target(%arg6 : memref<256xi32, #tpu.memory_space<vmem>>) target_semaphore(%arg10 : memref<!tpu.dma_semaphore, #tpu.memory_space<semaphore_mem>>)
      %dma_wait3A_301 = arith.constant 0 : i32
      %dma_wait3A_302 = arith.constant 0 : i32
      %dma_wait3A_303 = tpu.memref_slice %arg2[%dma_wait3A_301, %dma_wait3A_302] : memref<50x4096xi32, #tpu.memory_space<hbm>> -> memref<1x256xi32, #tpu.memory_space<hbm>>
      %dma_wait3A_304 = tpu.memref_squeeze %dma_wait3A_303 : memref<1x256xi32, #tpu.memory_space<hbm>> -> memref<256xi32, #tpu.memory_space<hbm>>
      %dma_wait3A_305 = arith.constant 0 : i32
      %dma_wait3A_306 = tpu.memref_slice %arg2[%dma_wait3A_301, %dma_wait3A_305] : memref<50x4096xi32, #tpu.memory_space<hbm>> -> memref<1x256xi32, #tpu.memory_space<hbm>>
      %dma_wait3A_307 = tpu.memref_squeeze %dma_wait3A_306 : memref<1x256xi32, #tpu.memory_space<hbm>> -> memref<256xi32, #tpu.memory_space<hbm>>
      tpu.wait_dma2 semaphore(%arg10 : memref<!tpu.dma_semaphore, #tpu.memory_space<semaphore_mem>>) src(%dma_wait3A_307 : memref<256xi32, #tpu.memory_space<hbm>>) dst(%arg6 : memref<256xi32, #tpu.memory_space<vmem>>)
      %dma_wait3A_308 = arith.constant 0 : i32
      %dma_wait3A_309 = arith.constant 0 : i32
      %dma_wait3A_310 = tpu.memref_slice %arg4[%dma_wait3A_308, %dma_wait3A_309] : memref<204800x128xf32, #tpu.memory_space<hbm>> -> memref<256x128xf32, #tpu.memory_space<hbm>>
      %dma_wait3A_311 = arith.constant 0 : i32
      %dma_wait3A_312 = arith.constant 0 : i32
      %dma_wait3A_313 = tpu.memref_slice %arg4[%dma_wait3A_311, %dma_wait3A_312] : memref<204800x128xf32, #tpu.memory_space<hbm>> -> memref<256x128xf32, #tpu.memory_space<hbm>>
      tpu.wait_dma2 semaphore(%arg14 : memref<!tpu.dma_semaphore, #tpu.memory_space<semaphore_mem>>) src(%arg8 : memref<256x128xf32, #tpu.memory_space<vmem>>) dst(%dma_wait3A_313 : memref<256x128xf32, #tpu.memory_space<hbm>>)
      %dma_start3A_314 = arith.constant 0 : i32
      %dma_start3A_315 = arith.constant 0 : i32
      %dma_start3A_316 = tpu.memref_slice %arg3[%dma_start3A_314, %dma_start3A_315] : memref<100000x128xf32, #tpu.memory_space<hbm>> -> memref<100000x128xf32, #tpu.memory_space<hbm>>
      tpu.enqueue_indirect_dma source(%dma_start3A_316 : memref<100000x128xf32, #tpu.memory_space<hbm>>) target(%arg8 : memref<256x128xf32, #tpu.memory_space<vmem>>) offsets(%arg6 : memref<256xi32, #tpu.memory_space<vmem>>) semaphore(%arg12 : memref<!tpu.dma_semaphore, #tpu.memory_space<semaphore_mem>>)
      %dma_wait3A_317 = arith.constant 0 : i32
      %dma_wait3A_318 = arith.constant 0 : i32
      %dma_wait3A_319 = tpu.memref_slice %arg3[%dma_wait3A_317, %dma_wait3A_318] : memref<100000x128xf32, #tpu.memory_space<hbm>> -> memref<100000x128xf32, #tpu.memory_space<hbm>>
      tpu.wait_indirect_dma semaphore(%arg11 : memref<!tpu.dma_semaphore, #tpu.memory_space<semaphore_mem>>) src(%dma_wait3A_319 : memref<100000x128xf32, #tpu.memory_space<hbm>>) dst(%arg7 : memref<256x128xf32, #tpu.memory_space<vmem>>)
      %add3A_320 = arith.addi %mul3A_2, %mul3A_223 : i32
      %mul3A_321 = arith.constant 256 : i32
      %mul3A_322 = arith.muli %add3A_320, %mul3A_321 : i32
      %dma_start3A_323 = arith.constant 0 : i32
      %dma_start3A_324 = tpu.memref_slice %arg4[%mul3A_322, %dma_start3A_323] : memref<204800x128xf32, #tpu.memory_space<hbm>> -> memref<256x128xf32, #tpu.memory_space<hbm>>
      %dma_start3A_325 = arith.constant 0 : i32
      %dma_start3A_326 = tpu.memref_slice %arg4[%mul3A_322, %dma_start3A_325] : memref<204800x128xf32, #tpu.memory_space<hbm>> -> memref<256x128xf32, #tpu.memory_space<hbm>>
      tpu.enqueue_dma source(%arg7 : memref<256x128xf32, #tpu.memory_space<vmem>>) target(%dma_start3A_326 : memref<256x128xf32, #tpu.memory_space<hbm>>) target_semaphore(%arg13 : memref<!tpu.dma_semaphore, #tpu.memory_space<semaphore_mem>>)
      %add3A_327 = arith.constant 2 : i32
      %add3A_328 = arith.addi %mul3A_223, %add3A_327 : i32
      %add3A_329 = arith.addi %mul3A_2, %add3A_328 : i32
      %jit3A_330 = arith.constant 16 : i32
      %div3A_331 = arith.divsi %add3A_329, %jit3A_330 : i32
      %sign3A_332 = arith.constant 0 : i32
      %sign3A_333 = arith.cmpi sgt, %add3A_329, %sign3A_332 : i32
      %sign3A_334 = arith.extui %sign3A_333 : i1 to i32
      %sign3A_335 = arith.constant 0 : i32
      %sign3A_336 = arith.cmpi slt, %add3A_329, %sign3A_335 : i32
      %sign3A_337 = arith.extui %sign3A_336 : i1 to i32
      %sign3A_338 = arith.subi %sign3A_334, %sign3A_337 : i32
      %sign3A_339 = arith.constant 0 : i32
      %sign3A_340 = arith.cmpi sgt, %jit3A_330, %sign3A_339 : i32
      %sign3A_341 = arith.extui %sign3A_340 : i1 to i32
      %sign3A_342 = arith.constant 0 : i32
      %sign3A_343 = arith.cmpi slt, %jit3A_330, %sign3A_342 : i32
      %sign3A_344 = arith.extui %sign3A_343 : i1 to i32
      %sign3A_345 = arith.subi %sign3A_341, %sign3A_344 : i32
      %ne3A_346 = arith.cmpi ne, %sign3A_338, %sign3A_345 : i32
      %rem3A_347 = arith.remsi %add3A_329, %jit3A_330 : i32
      %ne3A_348 = arith.constant 0 : i32
      %ne3A_349 = arith.cmpi ne, %rem3A_347, %ne3A_348 : i32
      %and3A_350 = arith.andi %ne3A_346, %ne3A_349 : i1
      %sub3A_351 = arith.constant 1 : i32
      %sub3A_352 = arith.subi %div3A_331, %sub3A_351 : i32
      %select_n3A_353 = arith.select %and3A_350, %sub3A_352, %div3A_331 : i32
      %jit3A_354 = arith.constant 16 : i32
      %eq3A_355 = arith.constant 0 : i32
      %eq3A_356 = arith.cmpi eq, %jit3A_354, %eq3A_355 : i32
      %jit3A_357 = arith.constant 1 : i32
      %select_n3A_358 = arith.select %eq3A_356, %jit3A_357, %jit3A_354 : i32
      %rem3A_359 = arith.remsi %add3A_329, %select_n3A_358 : i32
      %ne3A_360 = arith.constant 0 : i32
      %ne3A_361 = arith.cmpi ne, %rem3A_359, %ne3A_360 : i32
      %lt3A_362 = arith.constant 0 : i32
      %lt3A_363 = arith.cmpi slt, %rem3A_359, %lt3A_362 : i32
      %lt3A_364 = arith.constant 0 : i32
      %lt3A_365 = arith.cmpi slt, %select_n3A_358, %lt3A_364 : i32
      %ne3A_366 = arith.xori %lt3A_363, %lt3A_365 : i1
      %and3A_367 = arith.andi %ne3A_366, %ne3A_361 : i1
      %add3A_368 = arith.addi %rem3A_359, %select_n3A_358 : i32
      %select_n3A_369 = arith.select %and3A_367, %add3A_368, %rem3A_359 : i32
      %mul3A_370 = arith.constant 256 : i32
      %mul3A_371 = arith.muli %select_n3A_369, %mul3A_370 : i32
      %dma_start3A_372 = tpu.memref_slice %arg2[%select_n3A_353, %mul3A_371] : memref<50x4096xi32, #tpu.memory_space<hbm>> -> memref<1x256xi32, #tpu.memory_space<hbm>>
      %dma_start3A_373 = tpu.memref_squeeze %dma_start3A_372 : memref<1x256xi32, #tpu.memory_space<hbm>> -> memref<256xi32, #tpu.memory_space<hbm>>
      %dma_start3A_374 = tpu.memref_slice %arg2[%select_n3A_353, %mul3A_371] : memref<50x4096xi32, #tpu.memory_space<hbm>> -> memref<1x256xi32, #tpu.memory_space<hbm>>
      %dma_start3A_375 = tpu.memref_squeeze %dma_start3A_374 : memref<1x256xi32, #tpu.memory_space<hbm>> -> memref<256xi32, #tpu.memory_space<hbm>>
      tpu.enqueue_dma source(%dma_start3A_375 : memref<256xi32, #tpu.memory_space<hbm>>) target(%arg5 : memref<256xi32, #tpu.memory_space<vmem>>) target_semaphore(%arg9 : memref<!tpu.dma_semaphore, #tpu.memory_space<semaphore_mem>>)
    }
    %scan3A_170 = arith.constant 11 : i32
    %dma_wait3A_171 = arith.constant 0 : i32
    %dma_wait3A_172 = arith.constant 0 : i32
    %dma_wait3A_173 = tpu.memref_slice %arg2[%dma_wait3A_171, %dma_wait3A_172] : memref<50x4096xi32, #tpu.memory_space<hbm>> -> memref<1x256xi32, #tpu.memory_space<hbm>>
    %dma_wait3A_174 = tpu.memref_squeeze %dma_wait3A_173 : memref<1x256xi32, #tpu.memory_space<hbm>> -> memref<256xi32, #tpu.memory_space<hbm>>
    %dma_wait3A_175 = arith.constant 0 : i32
    %dma_wait3A_176 = tpu.memref_slice %arg2[%dma_wait3A_171, %dma_wait3A_175] : memref<50x4096xi32, #tpu.memory_space<hbm>> -> memref<1x256xi32, #tpu.memory_space<hbm>>
    %dma_wait3A_177 = tpu.memref_squeeze %dma_wait3A_176 : memref<1x256xi32, #tpu.memory_space<hbm>> -> memref<256xi32, #tpu.memory_space<hbm>>
    tpu.wait_dma2 semaphore(%arg9 : memref<!tpu.dma_semaphore, #tpu.memory_space<semaphore_mem>>) src(%dma_wait3A_177 : memref<256xi32, #tpu.memory_space<hbm>>) dst(%arg5 : memref<256xi32, #tpu.memory_space<vmem>>)
    %dma_wait3A_178 = arith.constant 0 : i32
    %dma_wait3A_179 = arith.constant 0 : i32
    %dma_wait3A_180 = tpu.memref_slice %arg4[%dma_wait3A_178, %dma_wait3A_179] : memref<204800x128xf32, #tpu.memory_space<hbm>> -> memref<256x128xf32, #tpu.memory_space<hbm>>
    %dma_wait3A_181 = arith.constant 0 : i32
    %dma_wait3A_182 = arith.constant 0 : i32
    %dma_wait3A_183 = tpu.memref_slice %arg4[%dma_wait3A_181, %dma_wait3A_182] : memref<204800x128xf32, #tpu.memory_space<hbm>> -> memref<256x128xf32, #tpu.memory_space<hbm>>
    tpu.wait_dma2 semaphore(%arg13 : memref<!tpu.dma_semaphore, #tpu.memory_space<semaphore_mem>>) src(%arg7 : memref<256x128xf32, #tpu.memory_space<vmem>>) dst(%dma_wait3A_183 : memref<256x128xf32, #tpu.memory_space<hbm>>)
    %dma_start3A_184 = arith.constant 0 : i32
    %dma_start3A_185 = arith.constant 0 : i32
    %dma_start3A_186 = tpu.memref_slice %arg3[%dma_start3A_184, %dma_start3A_185] : memref<100000x128xf32, #tpu.memory_space<hbm>> -> memref<100000x128xf32, #tpu.memory_space<hbm>>
    tpu.enqueue_indirect_dma source(%dma_start3A_186 : memref<100000x128xf32, #tpu.memory_space<hbm>>) target(%arg7 : memref<256x128xf32, #tpu.memory_space<vmem>>) offsets(%arg5 : memref<256xi32, #tpu.memory_space<vmem>>) semaphore(%arg11 : memref<!tpu.dma_semaphore, #tpu.memory_space<semaphore_mem>>)
    %dma_wait3A_187 = arith.constant 0 : i32
    %dma_wait3A_188 = arith.constant 0 : i32
    %dma_wait3A_189 = tpu.memref_slice %arg3[%dma_wait3A_187, %dma_wait3A_188] : memref<100000x128xf32, #tpu.memory_space<hbm>> -> memref<100000x128xf32, #tpu.memory_space<hbm>>
    tpu.wait_indirect_dma semaphore(%arg12 : memref<!tpu.dma_semaphore, #tpu.memory_space<semaphore_mem>>) src(%dma_wait3A_189 : memref<100000x128xf32, #tpu.memory_space<hbm>>) dst(%arg8 : memref<256x128xf32, #tpu.memory_space<vmem>>)
    %add3A_190 = arith.constant 23 : i32
    %add3A_191 = arith.addi %mul3A_2, %add3A_190 : i32
    %mul3A_192 = arith.constant 256 : i32
    %mul3A_193 = arith.muli %add3A_191, %mul3A_192 : i32
    %dma_start3A_194 = arith.constant 0 : i32
    %dma_start3A_195 = tpu.memref_slice %arg4[%mul3A_193, %dma_start3A_194] : memref<204800x128xf32, #tpu.memory_space<hbm>> -> memref<256x128xf32, #tpu.memory_space<hbm>>
    %dma_start3A_196 = arith.constant 0 : i32
    %dma_start3A_197 = tpu.memref_slice %arg4[%mul3A_193, %dma_start3A_196] : memref<204800x128xf32, #tpu.memory_space<hbm>> -> memref<256x128xf32, #tpu.memory_space<hbm>>
    tpu.enqueue_dma source(%arg8 : memref<256x128xf32, #tpu.memory_space<vmem>>) target(%dma_start3A_197 : memref<256x128xf32, #tpu.memory_space<hbm>>) target_semaphore(%arg14 : memref<!tpu.dma_semaphore, #tpu.memory_space<semaphore_mem>>)
    %dma_wait3A_198 = arith.constant 0 : i32
    %dma_wait3A_199 = arith.constant 0 : i32
    %dma_wait3A_200 = tpu.memref_slice %arg3[%dma_wait3A_198, %dma_wait3A_199] : memref<100000x128xf32, #tpu.memory_space<hbm>> -> memref<100000x128xf32, #tpu.memory_space<hbm>>
    tpu.wait_indirect_dma semaphore(%arg11 : memref<!tpu.dma_semaphore, #tpu.memory_space<semaphore_mem>>) src(%dma_wait3A_200 : memref<100000x128xf32, #tpu.memory_space<hbm>>) dst(%arg7 : memref<256x128xf32, #tpu.memory_space<vmem>>)
    %add3A_201 = arith.constant 24 : i32
    %add3A_202 = arith.addi %mul3A_2, %add3A_201 : i32
    %mul3A_203 = arith.constant 256 : i32
    %mul3A_204 = arith.muli %add3A_202, %mul3A_203 : i32
    %dma_start3A_205 = arith.constant 0 : i32
    %dma_start3A_206 = tpu.memref_slice %arg4[%mul3A_204, %dma_start3A_205] : memref<204800x128xf32, #tpu.memory_space<hbm>> -> memref<256x128xf32, #tpu.memory_space<hbm>>
    %dma_start3A_207 = arith.constant 0 : i32
    %dma_start3A_208 = tpu.memref_slice %arg4[%mul3A_204, %dma_start3A_207] : memref<204800x128xf32, #tpu.memory_space<hbm>> -> memref<256x128xf32, #tpu.memory_space<hbm>>
    tpu.enqueue_dma source(%arg7 : memref<256x128xf32, #tpu.memory_space<vmem>>) target(%dma_start3A_208 : memref<256x128xf32, #tpu.memory_space<hbm>>) target_semaphore(%arg13 : memref<!tpu.dma_semaphore, #tpu.memory_space<semaphore_mem>>)
    %dma_wait3A_209 = arith.constant 0 : i32
    %dma_wait3A_210 = arith.constant 0 : i32
    %dma_wait3A_211 = tpu.memref_slice %arg4[%dma_wait3A_209, %dma_wait3A_210] : memref<204800x128xf32, #tpu.memory_space<hbm>> -> memref<256x128xf32, #tpu.memory_space<hbm>>
    %dma_wait3A_212 = arith.constant 0 : i32
    %dma_wait3A_213 = arith.constant 0 : i32
    %dma_wait3A_214 = tpu.memref_slice %arg4[%dma_wait3A_212, %dma_wait3A_213] : memref<204800x128xf32, #tpu.memory_space<hbm>> -> memref<256x128xf32, #tpu.memory_space<hbm>>
    tpu.wait_dma2 semaphore(%arg13 : memref<!tpu.dma_semaphore, #tpu.memory_space<semaphore_mem>>) src(%arg7 : memref<256x128xf32, #tpu.memory_space<vmem>>) dst(%dma_wait3A_214 : memref<256x128xf32, #tpu.memory_space<hbm>>)
    %dma_wait3A_215 = arith.constant 0 : i32
    %dma_wait3A_216 = arith.constant 0 : i32
    %dma_wait3A_217 = tpu.memref_slice %arg4[%dma_wait3A_215, %dma_wait3A_216] : memref<204800x128xf32, #tpu.memory_space<hbm>> -> memref<256x128xf32, #tpu.memory_space<hbm>>
    %dma_wait3A_218 = arith.constant 0 : i32
    %dma_wait3A_219 = arith.constant 0 : i32
    %dma_wait3A_220 = tpu.memref_slice %arg4[%dma_wait3A_218, %dma_wait3A_219] : memref<204800x128xf32, #tpu.memory_space<hbm>> -> memref<256x128xf32, #tpu.memory_space<hbm>>
    tpu.wait_dma2 semaphore(%arg14 : memref<!tpu.dma_semaphore, #tpu.memory_space<semaphore_mem>>) src(%arg8 : memref<256x128xf32, #tpu.memory_space<vmem>>) dst(%dma_wait3A_220 : memref<256x128xf32, #tpu.memory_space<hbm>>)
    return
  }
}

</mosaic_0001>

<sc_bundles>
// kernel: _embed.3.cloned.1.call-start
scs
__scs_entry_jumppad:
0x0: {  	(pc) =	sbr.rel $0x88, $3  }
0x1: {  	(tag) =	ssettag $0x0;
	lr =	simm.s32 $0x1  }
0x2: {  	[smem:$0x3F9F] =	sst lr;
	_ =	strace $0xD0000000  }
0x3: {  	_ = 	snop  }
0x4: {  	_ = 	snop  }
0x5: {  	_ = 	snop  }
0x6: {  	_ = 	snop  }
0x7: {  	_ = 	snop  }
__scs_overlays_trampoline_lowered:
0x8: {  	[smem:$0x3FAE] =	sst s0  }
0x9: {  	[smem:$0x3FAF] =	sst s1  }
0xa: {  	[smem:$0x3FB0] =	sst s2  }
0xb: {  	[smem:$0x3FB1] =	sst s3  }
0xc: {  	[smem:$0x3FB2] =	sst s4  }
0xd: {  	[smem:$0x3FB3] =	sst s5  }
0xe: {  	[smem:$0x3FB4] =	sst s6  }
0xf: {  	[smem:$0x3FB5] =	sst s7  }
0x10: {  	[smem:$0x3FB6] =	sst s8  }
0x11: {  	[smem:$0x3FB7] =	sst s9;
	s0 =	simm.s32 @!p0 $0x0  }
0x12: {  	s1 =	sld [smem:$0x3F9D];
	s0 =	simm.s32 @p0 $0x1  }
0x13: {  	[smem:$0x3FB8] =	sst s0;
	s0 =	simm.s32 @!p1 $0x0  }
0x14: {  	s2 =	sld [smem:$0x3F9C];
	s0 =	simm.s32 @p1 $0x1  }
0x15: {  	[smem:$0x3FB9] =	sst s0;
	s0 =	simm.s32 @!p2 $0x0  }
0x16: {  	s3 =	sld [smem:$0x3FDB];
	s0 =	simm.s32 @p2 $0x1  }
0x17: {  	s4 =	simm.s32 $0x1BF5;
	[smem:$0x3FBB] =	sst s0  }
0x18: {  	s0 =	sld [smem:$0x3F9E];
	_ =	swait.ge [sflag:s4], $0x0  }
0x19: {  	s7 =	sld [smem:$0x3F9F]  }
0x1a: {  	s8 =	sadd.s32 $0xFFFFE003, lr  }
0x1b: {  	s9 =	sadd.s32 $0xFFFFFEF7, lr;
	s5 =	simm.s32 $0xFFFFFFFF;
	p2 =	slt.u32 s8, $0xFFFFF086  }
0x1c: {  	p1 =	slt.u32 s9, $0xF7A;
	s5 =	simm.s32 @!p2 $0x0  }
0x1d: {  	s5 =	simm.s32 @p1 $0x1;
	p0 =	seq.s32 s7, s2  }
0x1e: {  	s7 =	smul.u32 @!p0 $0xF7A, s2;
	p2 =	seq.s32 @!p0 s5, $0x0  }
0x1f: {  	s9 =	smul.u32 $0xF7A, s1;
	s8 =	simm.s32 @!p0 $0x1BF5;
	p2 =	por !p2, p0  }
0x20: {  	[sflag:s8] =	ssyncset.s32 @!p0 $0xFFFFF086;
	s6 =	sadd.s32 @!p0 s3, s7;
	s7 =	simm.s32 @!p0 $0x108  }
0x21: {  	s3 =	sadd.s32 s3, s9;
	s6 =	sadd.s32 @!p0 $0x88, s6;
	s7 =	simm.s32 @p2 $0x1082  }
0x22: {  	[simem:s7], [sflag:s8] =	dma.local @!p0 [hbm:s6], $0xF7A  }
0x23: {  	s9 =	sor.u32 $0xD0000000, s2;
	s6 =	simm.s32 $0x108;
	_ =	swait.ge @!p0 [sflag:s8], $0x0  }
0x24: {  	s3 =	sadd.s32 $0x88, s3;
	s6 =	simm.s32 @!p1 $0x1082;
	[sflag:s4] =	ssyncset.s32 $0xFFFFF086  }
0x25: {  	[simem:s6], [sflag:s4] =	dma.local [hbm:s3], $0xF7A  }
0x26: {  	[smem:$0x3F9F] =	sst s1;
	(tag) =	ssettag s2;
	_ =	strace s9  }
0x27: {  	s1 =	sld [smem:$0x3FAF]  }
0x28: {  	s2 =	sld [smem:$0x3FB0]  }
0x29: {  	s4 =	sld [smem:$0x3FB2]  }
0x2a: {  	p0 =	seq.s32 s5, $0x0;
	s5 =	sld [smem:$0x3FB3]  }
0x2b: {  	s6 =	sld [smem:$0x3FB4]  }
0x2c: {  	s7 =	sld [smem:$0x3FB5]  }
0x2d: {  	s3 =	simm.s32 $0x108;
	s8 =	sld [smem:$0x3FB6]  }
0x2e: {  	s3 =	simm.s32 @!p0 $0x1082;
	s9 =	sld [smem:$0x3FB7]  }
0x2f: {  	lr =	sadd.s32 s0, s3;
	s0 =	sld [smem:$0x3FAE]  }
0x30: {  	s3 =	sld [smem:$0x3FB1]  }
0x31: {  	[smem:$0x3FBA] =	sst s10  }
0x32: {  	s10 =	sld [smem:$0x3FB8];
	_ =	sdelay $0x3  }
0x33: {  	p0 =	seq.s32 s10, $0x1;
	s10 =	sld [smem:$0x3FBA];
	_ =	sdelay $0x3  }
0x34: {  	[smem:$0x3FBA] =	sst s10  }
0x35: {  	s10 =	sld [smem:$0x3FB9];
	_ =	sdelay $0x3  }
0x36: {  	p1 =	seq.s32 s10, $0x1;
	s10 =	sld [smem:$0x3FBA];
	_ =	sdelay $0x3  }
0x37: {  	[smem:$0x3FBA] =	sst s10  }
0x38: {  	s10 =	sld [smem:$0x3FBB]  }
0x39: {  	_ = 	snop;
	(pc) =	sbr.ind lr, $3  }
0x3a: {  	_ = 	snop  }
0x3b: {  	_ = 	snop  }
0x3c: {  	p2 =	seq.s32 s10, $0x1;
	s10 =	sld [smem:$0x3FBA]  }
0x3d: {  	_ =	shalt  }
0x3e: {  	_ =	shalt  }
0x3f: {  	_ =	shalt  }
0x40: {  	_ =	shalt  }
0x41: {  	_ =	shalt  }
0x42: {  	_ =	shalt  }
0x43: {  	_ =	shalt  }
0x44: {  	_ =	shalt  }
0x45: {  	_ =	shalt  }
0x46: {  	_ =	shalt  }
0x47: {  	_ =	shalt  }
0x48: {  	_ =	shalt  }
0x49: {  	_ =	shalt  }
0x4a: {  	_ =	shalt  }
0x4b: {  	_ =	shalt  }
0x4c: {  	_ =	shalt  }
0x4d: {  	_ =	shalt  }
0x4e: {  	_ =	shalt  }
0x4f: {  	_ =	shalt  }
0x50: {  	_ =	shalt  }
0x51: {  	_ =	shalt  }
0x52: {  	_ =	shalt  }
0x53: {  	_ =	shalt  }
0x54: {  	_ =	shalt  }
0x55: {  	_ =	shalt  }
0x56: {  	_ =	shalt  }
0x57: {  	_ =	shalt  }
0x58: {  	_ =	shalt  }
0x59: {  	_ =	shalt  }
0x5a: {  	_ =	shalt  }
0x5b: {  	_ =	shalt  }
0x5c: {  	_ =	shalt  }
0x5d: {  	_ =	shalt  }
0x5e: {  	_ =	shalt  }
0x5f: {  	_ =	shalt  }
0x60: {  	_ =	shalt  }
0x61: {  	_ =	shalt  }
0x62: {  	_ =	shalt  }
0x63: {  	_ =	shalt  }
0x64: {  	_ =	shalt  }
0x65: {  	_ =	shalt  }
0x66: {  	_ =	shalt  }
0x67: {  	_ =	shalt  }
0x68: {  	_ =	shalt  }
0x69: {  	_ =	shalt  }
0x6a: {  	_ =	shalt  }
0x6b: {  	_ =	shalt  }
0x6c: {  	_ =	shalt  }
0x6d: {  	_ =	shalt  }
0x6e: {  	_ =	shalt  }
0x6f: {  	_ =	shalt  }
0x70: {  	_ =	shalt  }
0x71: {  	_ =	shalt  }
0x72: {  	_ =	shalt  }
0x73: {  	_ =	shalt  }
0x74: {  	_ =	shalt  }
0x75: {  	_ =	shalt  }
0x76: {  	_ =	shalt  }
0x77: {  	_ =	shalt  }
0x78: {  	_ =	shalt  }
0x79: {  	_ =	shalt  }
0x7a: {  	_ =	shalt  }
0x7b: {  	_ =	shalt  }
0x7c: {  	_ =	shalt  }
0x7d: {  	_ =	shalt  }
0x7e: {  	_ =	shalt  }
0x7f: {  	_ =	shalt  }
0x80: {  	_ =	shalt  }
0x81: {  	_ =	shalt  }
0x82: {  	_ =	shalt  }
0x83: {  	_ =	shalt  }
0x84: {  	_ =	shalt  }
0x85: {  	_ =	shalt  }
0x86: {  	_ =	shalt  }
0x87: {  	_ =	shalt  }
.Lfunc_end0:
.L_simem_size_0:
called_computation_lowered:
.L_overlay_start_0:
0x88: {  	s2 =	sld [smem:$0x3FD9]  }
0x89: {  	s3 =	sld [smem:$0x3FFE];
	_ =	sdelay $0x1  }
0x8a: {  	s1 =	srdreg.scid  }
0x8b: {  	s0 =	sand.u32 $0x1, s1  }
0x8c: {  	s18 =	sshll.u32 s0, $0xA;
	s2 =	sadd.s32 s3, s2  }
0x8d: {  	s2 =	sadd.s32 s2, s18  }
0x8e: {  	[smem:$0x3FC6] =	sst s2  }
0x8f: {  	_ = 	snop  }
0x90: {  	s2 =	sld [smem:$0x3FC9]  }
0x91: {  	s19 =	sld [smem:$0x3FC8]  }
0x92: {  	s4 =	sld [smem:$0x3FD0];
	(tm) =	ssettm $0x1  }
0x93: {  	s5 =	sld [smem:$0x3FFB];
	_ =	sdelay $0x3  }
0x94: {  	_ =	strace s5  }
0x95: {  	s5 =	sld [smem:$0x3FFC];
	_ =	sdelay $0x3  }
0x96: {  	_ =	strace s5  }
0x97: {  	s5 =	sld [smem:$0x3FFD];
	_ =	sdelay $0x3  }
0x98: {  	_ =	strace s5  }
0x99: {  	_ =	strace $0x8FFFFFFF  }
0x9a: {  	s20 =	sld [smem:$0x3FDB];
	_ =	sdelay $0x1  }
0x9b: {  	s6 =	simm.s32 $_scs_section_size  }
0x9c: {  	s7 =	simm.s32 $_size__tile_overlayer_lowered;
	s8 =	simm.s32 $_tile_overlayer_lowered  }
0x9d: {  	s23 =	simm.s32 $0x1BFF;
	s22 =	sshll.u32 s8, $0x1;
	s5 =	sadd.s32 s6, s20  }
0x9e: {  	s9 =	simm.s32 $0x0;
	s21 =	sshll.u32 s7, $0x1;
	s7 =	sadd.s32 s22, s5  }
0x9f: {  	[timem:s9], [sflag:s23] =	dma.local [hbm:s7], s21  }
0xa0: {  	_ =	swait.ge [sflag:s23], s21  }
0xa1: {  	s6 =	ssub.s32 $0x0, s21;
	[sflag:s23] =	ssyncset.done $0x0  }
0xa2: {  	[sflag:s23] =	ssyncadd.s32 s6;
	_ =	sdelay $0x1  }
0xa3: {  	s24 =	simm.s32 $0x1B8B  }
0xa4: {  	_ =	swait.ge [sflag:s24], $0x1  }
0xa5: {  	[sflag:s24] =	ssyncset.done $0x0  }
0xa6: {  	s25 =	simm.s32 $0x1B8E;
	[sflag:s24] =	ssyncadd.s32 $0xFFFFFFFF  }
0xa7: {  	s26 =	simm.s32 $execute0_lowered;
	[smem:$0x3FD2] =	sst s25  }
0xa8: {  	s6 =	sshll.u32 s26, $0x1;
	_ =	strace $0x80000046;
	[dreg:$0x1] =	wrdreg $0xFFFFFFFF  }
0xa9: {  	s28 =	simm.s32 $_size_execute0_lowered;
	s5 =	sadd.s32 s5, s6;
	[dreg:$0x0] =	wrdreg $0x0  }
0xaa: {  	s6 =	sshll.u32 s28, $0x1;
	[dreg:$0x2] =	wrdreg s5  }
0xab: {  	[dreg:$0x3] =	wrdreg s6  }
0xac: {  	[dreg:$0x4] =	wrdreg $0xC0  }
0xad: {  	_ =	task [dreg:s9], $0x5FFFF  }
0xae: {  	[dreg:$0x1] =	wrdreg $0xFFFFFFFF  }
0xaf: {  	[dreg:$0x0] =	wrdreg $0x60  }
0xb0: {  	[dreg:$0x2] =	wrdreg s2  }
0xb1: {  	[dreg:$0x3] =	wrdreg s19  }
0xb2: {  	[dreg:$0x4] =	wrdreg s4  }
0xb3: {  	[dreg:$0x5] =	wrdreg $0x9  }
0xb4: {  	_ =	task.clear_ibuf [dreg:s9], $0x6FFFF;
	_ =	strace $0x90000046  }
0xb5: {  	s29 =	simm.s32 $0x9;
	_ =	strace $0x80000048  }
0xb6: {  	_ =	swait.ge [sflag:s29], $0x1  }
0xb7: {  	[sflag:s29] =	ssyncadd.s32 $0xFFFFFFFF  }
0xb8: {  	_ =	strace $0x90000048  }
0xb9: {  	_ =	sfence  }
0xba: {  	s30 =	sld [smem:$0x0];
	_ =	sdelay $0x2  }
0xbb: {  	s31 =	sshll.u32 s1, $0xD;
	s1 =	sshrl.u32 s1, $0x2  }
0xbc: {  	s3 =	sand.u32 $0x4000, s31;
	s1 =	sadd.s32 s1, s30  }
0xbd: {  	s0 =	sor.u32 s3, s0;
	s1 =	sshll.u32 s1, $0x11  }
0xbe: {  	s0 =	sor.u32 s1, s0  }
0xbf: {  	s0 =	sadd.s32 $0x8F2B, s0  }
0xc0: {  	[sflag:s0] =	ssyncadd.remote.s32 $0x1  }
0xc1: {  	_ =	sfence.sel $0xFFFF  }
0xc2: {  	[dreg:$0x0] =	wrdreg $0xFFFFFFFF;
	(pc) =	sbr.abs _section_cstart, $3  }
0xc3: {  	[dreg:$0x1] =	wrdreg $0xFFFFFFFF  }
0xc4: {  	_ =	task.clear_ibuf [dreg:s9], $0x2FFFF;
	_ =	strace $0x9FFFFFFF  }
0xc5: {  	(tm) =	ssettm $0x7FFFFFFF  }
tec
execute0_lowered:
.L_overlay_start_1:
0x0: {  	(tag) =	ssettag $0x1  }
0x1: {  	s14 =	stileid.u32  }
0x2: {  	s0 =	srdreg.scid;
	s12 =	smul.u32 $0x640, s14  }
0x3: {  	s0 =	sand.u32 $0x1, s0;
	s29 =	smul.u32 $0x3200, s14  }
0x4: {  	s1 =	rddreg [dreg:$0x0];
	s23 =	smul.u32 $0x19, s0  }
0x5: {  	s3 =	rddreg [dreg:$0x1];
	s2 =	sshll.u32 s14, $0x1;
	s25 =	smul.u32 $0x320, s0  }
0x6: {  	s5 =	rddreg [dreg:$0x2];
	s2 =	sor.u32 s0, s2;
	s30 =	smul.u32 $0x1900, s0  }
0x7: {  	s4 =	simm.s32 $0x0;
	s28 =	simm.s32 $0x0;
	s6 =	smul.u32 $0x19, s2  }
0x8: {  	[smem:$0x7FF] =	sst s4;
	s8 =	ssub.s32 $0x2, s0;
	s7 =	smul.u32 $0x4800, s2  }
0x9: {  	_ =	strace $0x80000047;
	s11 =	sshrl.u32 s8, $0x1;
	s18 =	smul.u32 $0x19000, s2  }
0xa: {  	s2 =	smul.u32 $0xC8000, s2;
	s11 =	ssub.s32 s8, s11;
	s9 =	sshll.u32 s6, $0x8  }
0xb: {  	s7 =	sand.u32 $0x7800, s7;
	s10 =	sshll.u32 s6, $0x3;
	s15 =	sadd.s32 $0x1, s6  }
0xc: {  	s6 =	sadd.s32 $0x2, s6;
	s20 =	sadd.s32 s5, s18;
	s2 =	sshrl.u32 s2, $0x3  }
0xd: {  	s26 =	smax.u32 s11, $0x1;
	s18 =	simm.s32 $0x100;
	s9 =	sand.u32 $0x38000, s9  }
0xe: {  	s13 =	sand.u32 $0x380, s10;
	s16 =	sshll.u32 s15, $0x5;
	s17 =	sshll.u32 s15, $0x8  }
0xf: {  	s8 =	sand.u32 $0x70, s15;
	[dreg:$0x7] =	wrdreg s20;
	s21 =	sshll.u32 s6, $0x5  }
0x10: {  	s22 =	sshll.u32 s6, $0x8;
	s6 =	sand.u32 $0x70, s6;
	s2 =	sadd.s32 s5, s2  }
0x11: {  	[dreg:$0xb] =	wrdreg s26;
	s20 =	simm.s32 $0x200;
	s26 =	simm.s32 $0x6  }
0x12: {  	s7 =	sor.u32 s7, s9;
	s9 =	sand.u32 $0xF000, s16;
	s10 =	sand.u32 $0xF00, s17  }
0x13: {  	s8 =	sadd.s32 s1, s8;
	s6 =	sadd.s32 s1, s6;
	s24 =	sadd.s32 $0x17000, s2  }
0x14: {  	s2 =	sadd.s32 $0x18000, s2;
	s16 =	simm.s32 $0x80;
	s17 =	simm.s32 $0x400  }
0x15: {  	s7 =	sor.u32 s13, s7;
	s9 =	sor.u32 s10, s9;
	[dreg:$0x9] =	wrdreg s24  }
0x16: {  	s13 =	smul.u32 $0x32, s14;
	[dreg:$0xa] =	wrdreg s2;
	s7 =	sshrl.u32 s7, $0x3  }
0x17: {  	s2 =	sadd.s32 s25, s12;
	s19 =	sadd.s32 s9, s8;
	s7 =	sadd.s32 s1, s7  }
0x18: {  	s8 =	sand.u32 $0xF00, s22;
	[dreg:$0x5] =	wrdreg s7;
	s7 =	sand.u32 $0xF000, s21  }
0x19: {  	s24 =	simm.s32 $0x5;
	[dreg:$0x4] =	wrdreg s2;
	s7 =	sor.u32 s8, s7  }
0x1a: {  	s25 =	simm.s32 $0x4;
	[dreg:$0x6] =	wrdreg s19;
	s6 =	sadd.s32 s7, s6  }
0x1b: {  	s22 =	simm.s32 $0x8200;
	[dreg:$0x8] =	wrdreg s6;
	s6 =	sadd.s32 s23, s13  }
0x1c: {  	s19 =	simm.s32 $0x1;
	s21 =	simm.s32 $0x2;
	s13 =	sshll.u32 s6, $0xC  }
0x1d: {  	s23 =	simm.s32 $0x3;
	s0 =	sadd.s32 $0x4, s6;
	s31 =	sadd.s32 s13, s5  }
0x1e: {  	s5 =	sadd.s32 s30, s29;
	s6 =	sadd.s32 $0x1000, s31;
	s15 =	sadd.s32 $0x2000, s31  }
.LBB2_1:
0x1f: {  	s2 =	rddreg [dreg:$0x5]  }
0x20: {  	[tilespmem:s4], [sflag:$0x1] =	stream.strided.gather [hbm4b:s2+s16], $0x100, s17, s16, $0x38;
	[tilespmem:$0x10200] =	vst v63  }
0x21: {  	s10 =	rddreg [dreg:$0x6]  }
0x22: {  	[tilespmem:s18], [sflag:$0x2] =	stream.strided.gather [hbm4b:s10+s16], $0x100, s17, s16, $0x38;
	[tilespmem:$0x10200] =	vst v63  }
0x23: {  	_ =	swait.ge [sflag:s19], $0x100  }
0x24: {  	[sflag:s19] =	ssyncset.done $0x0  }
0x25: {  	[sflag:s19] =	ssyncadd.s32 $0xFFFFFF00  }
0x26: {  	[tilespmem:s20], [sflag:$0x3] =	stream.indirect.gather [hbm4b:s3+s18], $0x80, s4, s18, $0xb8;
	[tilespmem:$0x10200] =	vst v63  }
0x27: {  	_ =	swait.ge [sflag:s21], $0x100  }
0x28: {  	[sflag:s21] =	ssyncset.done $0x0  }
0x29: {  	[sflag:s21] =	ssyncadd.s32 $0xFFFFFF00  }
0x2a: {  	[tilespmem:s22], [sflag:$0x4] =	stream.indirect.gather [hbm4b:s3+s18], $0x80, s18, s18, $0xb8;
	[tilespmem:$0x10200] =	vst v63  }
0x2b: {  	_ =	swait.ge [sflag:s23], $0x8000  }
0x2c: {  	[sflag:s23] =	ssyncset.done $0x0  }
0x2d: {  	s11 =	rddreg [dreg:$0x7];
	[sflag:s23] =	ssyncadd.s32 $0xFFFF8000  }
0x2e: {  	[hbm4b:s11+s4] =	stream.linear.scatter [tilespmem:s20], [sflag:$0x5], $0x8000, $0x38;
	[tilespmem:$0x10200] =	vst v63  }
0x2f: {  	s12 =	rddreg [dreg:$0x8]  }
0x30: {  	[tilespmem:s4], [sflag:$0x1] =	stream.strided.gather [hbm4b:s12+s16], $0x100, s17, s16, $0x38;
	[tilespmem:$0x10200] =	vst v63  }
0x31: {  	_ =	swait.ge [sflag:s19], $0x100  }
0x32: {  	[sflag:s19] =	ssyncset.done $0x0  }
0x33: {  	[sflag:s19] =	ssyncadd.s32 $0xFFFFFF00  }
0x34: {  	_ =	swait.ge [sflag:s24], $0x8000  }
0x35: {  	[sflag:s24] =	ssyncset.done $0x0  }
0x36: {  	[sflag:s24] =	ssyncadd.s32 $0xFFFF8000  }
0x37: {  	[tilespmem:s20], [sflag:$0x3] =	stream.indirect.gather [hbm4b:s3+s18], $0x80, s4, s18, $0xb8;
	[tilespmem:$0x10200] =	vst v63  }
0x38: {  	s7 =	sadd.s32 $0x300, s5;
	_ =	swait.ge [sflag:s25], $0x8000  }
0x39: {  	s30 =	simm.s32 $0x40;
	[sflag:s25] =	ssyncset.done $0x0;
	s13 =	rddreg [dreg:$0x4]  }
0x3a: {  	s29 =	sand.u32 $0x70, s0;
	[sflag:s25] =	ssyncadd.s32 $0xFFFF8000;
	s2 =	sadd.s32 $0x0, s13  }
0x3b: {  	[hbm4b:s6+s4] =	stream.linear.scatter [tilespmem:s22], [sflag:$0x6], $0x8000, $0x38;
	[tilespmem:$0x10200] =	vst v63  }
0x3c: {  	s14 =	sadd.s32 $0x400, s5;
	s12 =	sadd.s32 $0xFFFFFFFF, s0;
	s13 =	sadd.s32 $0x60, s2  }
0x3d: {  	s7 =	sand.u32 $0xF00, s7;
	s12 =	sand.u32 $0x70, s12;
	s13 =	sand.u32 $0xFFFF000, s13  }
0x3e: {  	s12 =	sadd.s32 s1, s12;
	s2 =	sadd.s32 $0x80, s2;
	s7 =	sor.u32 s7, s13  }
0x3f: {  	s31 =	smov.u32 s15;
	s2 =	sand.u32 $0xFFFF000, s2;
	s7 =	sadd.s32 s7, s12  }
0x40: {  	[tilespmem:s18], [sflag:$0x2] =	stream.strided.gather [hbm4b:s7+s16], $0x100, s17, s16, $0x38;
	[tilespmem:$0x10200] =	vst v63  }
0x41: {  	s13 =	smov.u32 s5;
	s12 =	smov.u32 s0;
	_ =	swait.ge [sflag:s21], $0x100  }
0x42: {  	s7 =	sand.u32 $0xF00, s14;
	s14 =	smov.u32 s6;
	[sflag:s21] =	ssyncset.done $0x0  }
0x43: {  	s7 =	sor.u32 s7, s2;
	s2 =	sadd.s32 $0x2000, s15;
	[sflag:s21] =	ssyncadd.s32 $0xFFFFFF00  }
.LBB2_2:
0x44: {  	_ =	swait.ge [sflag:s26], $0x8000  }
0x45: {  	[sflag:s26] =	ssyncset.done $0x0  }
0x46: {  	[sflag:s26] =	ssyncadd.s32 $0xFFFF8000  }
0x47: {  	[tilespmem:s22], [sflag:$0x4] =	stream.indirect.gather [hbm4b:s3+s18], $0x80, s18, s18, $0xb8;
	[tilespmem:$0x10200] =	vst v63  }
0x48: {  	_ =	swait.ge [sflag:s23], $0x8000  }
0x49: {  	[sflag:s23] =	ssyncset.done $0x0  }
0x4a: {  	s10 =	sadd.s32 s1, s29;
	[sflag:s23] =	ssyncadd.s32 $0xFFFF8000  }
0x4b: {  	[hbm4b:s31+s4] =	stream.linear.scatter [tilespmem:s20], [sflag:$0x5], $0x8000, $0x38;
	[tilespmem:$0x10200] =	vst v63  }
0x4c: {  	s7 =	sadd.s32 s7, s10  }
0x4d: {  	[tilespmem:s4], [sflag:$0x1] =	stream.strided.gather [hbm4b:s7+s16], $0x100, s17, s16, $0x38;
	[tilespmem:$0x10200] =	vst v63  }
0x4e: {  	_ =	swait.ge [sflag:s19], $0x100  }
0x4f: {  	[sflag:s19] =	ssyncset.done $0x0  }
0x50: {  	[sflag:s19] =	ssyncadd.s32 $0xFFFFFF00  }
0x51: {  	s12 =	sadd.s32 $0x2, s12;
	s13 =	sadd.s32 $0x200, s13;
	_ =	swait.ge [sflag:s24], $0x8000  }
0x52: {  	s14 =	sadd.s32 $0x2000, s14;
	s8 =	smov.u32 s30;
	[sflag:s24] =	ssyncset.done $0x0  }
0x53: {  	s9 =	sand.u32 $0x70, s12;
	s10 =	sadd.s32 $0xFFFFFFFF, s12;
	[sflag:s24] =	ssyncadd.s32 $0xFFFF8000  }
0x54: {  	[tilespmem:s20], [sflag:$0x3] =	stream.indirect.gather [hbm4b:s3+s18], $0x80, s4, s18, $0xb8;
	[tilespmem:$0x10200] =	vst v63  }
0x55: {  	s29 =	smov.u32 s9;
	s9 =	sadd.s32 $0x300, s13;
	_ =	swait.ge [sflag:s25], $0x8000  }
0x56: {  	s7 =	sand.u32 $0xF00, s9;
	[sflag:s25] =	ssyncset.done $0x0;
	s11 =	rddreg [dreg:$0x4]  }
0x57: {  	s9 =	sand.u32 $0x70, s10;
	[sflag:s25] =	ssyncadd.s32 $0xFFFF8000;
	s8 =	sadd.s32 s8, s11  }
0x58: {  	[hbm4b:s14+s4] =	stream.linear.scatter [tilespmem:s22], [sflag:$0x6], $0x8000, $0x38;
	[tilespmem:$0x10200] =	vst v63  }
0x59: {  	p0 =	sne.s32 s30, $0x280;
	s9 =	sadd.s32 s1, s9;
	s10 =	sadd.s32 $0x60, s8  }
0x5a: {  	s11 =	sadd.s32 $0x400, s13;
	s8 =	sadd.s32 $0x80, s8;
	s10 =	sand.u32 $0xFFFF000, s10  }
0x5b: {  	s11 =	sand.u32 $0xF00, s11;
	s8 =	sand.u32 $0xFFFF000, s8;
	s10 =	sor.u32 s7, s10  }
.Ltmp0:
0x5c: {  	s7 =	sor.u32 s11, s8;
	s11 =	sadd.s32 s10, s9;
	(pc) =	sbr.rel @p0 .LBB2_2-.Ltmp0, $4  }
0x5d: {  	[tilespmem:s18], [sflag:$0x2] =	stream.strided.gather [hbm4b:s11+s16], $0x100, s17, s16, $0x38;
	[tilespmem:$0x10200] =	vst v63  }
0x5e: {  	_ =	swait.ge [sflag:s21], $0x100  }
0x5f: {  	s30 =	sadd.s32 $0x40, s30;
	[sflag:s21] =	ssyncset.done $0x0  }
0x60: {  	s31 =	smov.u32 s2;
	s2 =	sadd.s32 $0x2000, s2;
	[sflag:s21] =	ssyncadd.s32 $0xFFFFFF00  }
0x61: {  	_ =	swait.ge [sflag:s26], $0x8000  }
0x62: {  	[sflag:s26] =	ssyncset.done $0x0  }
0x63: {  	[sflag:s26] =	ssyncadd.s32 $0xFFFF8000  }
0x64: {  	[tilespmem:s22], [sflag:$0x4] =	stream.indirect.gather [hbm4b:s3+s18], $0x80, s18, s18, $0xb8;
	[tilespmem:$0x10200] =	vst v63  }
0x65: {  	_ =	swait.ge [sflag:s23], $0x8000  }
0x66: {  	[sflag:s23] =	ssyncset.done $0x0  }
0x67: {  	s2 =	sadd.s32 s1, s29;
	[sflag:s23] =	ssyncadd.s32 $0xFFFF8000  }
0x68: {  	[hbm4b:s31+s4] =	stream.linear.scatter [tilespmem:s20], [sflag:$0x5], $0x8000, $0x38;
	[tilespmem:$0x10200] =	vst v63  }
0x69: {  	s2 =	sadd.s32 s7, s2  }
0x6a: {  	[tilespmem:s4], [sflag:$0x1] =	stream.strided.gather [hbm4b:s2+s16], $0x100, s17, s16, $0x38;
	[tilespmem:$0x10200] =	vst v63  }
0x6b: {  	_ =	swait.ge [sflag:s19], $0x100  }
0x6c: {  	[sflag:s19] =	ssyncset.done $0x0  }
0x6d: {  	[sflag:s19] =	ssyncadd.s32 $0xFFFFFF00  }
0x6e: {  	_ =	swait.ge [sflag:s24], $0x8000  }
0x6f: {  	[sflag:s24] =	ssyncset.done $0x0  }
0x70: {  	[sflag:s24] =	ssyncadd.s32 $0xFFFF8000  }
0x71: {  	[tilespmem:s20], [sflag:$0x3] =	stream.indirect.gather [hbm4b:s3+s18], $0x80, s4, s18, $0xb8;
	[tilespmem:$0x10200] =	vst v63  }
0x72: {  	_ =	swait.ge [sflag:s25], $0x8000  }
0x73: {  	[sflag:s25] =	ssyncset.done $0x0  }
0x74: {  	s29 =	rddreg [dreg:$0x9];
	[sflag:s25] =	ssyncadd.s32 $0xFFFF8000  }
0x75: {  	[hbm4b:s29+s4] =	stream.linear.scatter [tilespmem:s22], [sflag:$0x6], $0x8000, $0x38;
	[tilespmem:$0x10200] =	vst v63  }
0x76: {  	_ =	swait.ge [sflag:s23], $0x8000  }
0x77: {  	[sflag:s23] =	ssyncset.done $0x0  }
0x78: {  	s30 =	rddreg [dreg:$0xa];
	[sflag:s23] =	ssyncadd.s32 $0xFFFF8000  }
0x79: {  	[hbm4b:s30+s4] =	stream.linear.scatter [tilespmem:s20], [sflag:$0x5], $0x8000, $0x38;
	[tilespmem:$0x10200] =	vst v63  }
0x7a: {  	_ =	swait.ge [sflag:s24], $0x8000  }
0x7b: {  	[sflag:s24] =	ssyncset.done $0x0  }
0x7c: {  	[sflag:s24] =	ssyncadd.s32 $0xFFFF8000  }
0x7d: {  	_ =	swait.ge [sflag:s26], $0x8000  }
0x7e: {  	s28 =	sadd.s32 $0x1, s28;
	s31 =	rddreg [dreg:$0xb]  }
0x7f: {  	p0 =	sne.s32 s28, s31  }
.Ltmp1:
0x80: {  	_ = 	snop;
	(pc) =	sbr.rel @p0 .LBB2_1-.Ltmp1, $3  }
0x81: {  	_ =	sdelay $0x1  }
0x82: {  	[sflag:s26] =	ssyncset.done $0x0  }
0x83: {  	[sflag:s26] =	ssyncadd.s32 $0xFFFF8000  }
0x84: {  	_ =	sfence.sel $0x180000  }
0x85: {  	[bflag:$0x0] =	sbarrier.arrive $0xFFFF  }
0x86: {  	_ =	strace $0x90000047  }
0x87: {  	s0 =	stileid.u32;
	[bflag:$0x2] =	sbarrier.arrive $0xFFFF  }
0x88: {  	p0 =	sne.s32 s0, $0x0;
	s0 =	rddreg [dreg:$0x3]  }
0x89: {  	s0 =	sadd.s32 @!p0 $0x100000, s0  }
0x8a: {  	[sflag:s0] =	ssyncadd.tile.s32 @!p0 $0x1;
	_ =	shalt  }
.Lfunc_end2:
_tile_overlayer_lowered:
.L_overlay_start_2:
0x8b: {  	(tag) =	ssettag $0x2  }
0x8c: {  	s0 =	rddreg [dreg:$0x0];
	s2 =	stileid.u32  }
0x8d: {  	s1 =	rddreg [dreg:$0x1];
	p0 =	sne.s32 s2, $0x0  }
0x8e: {  	s3 =	rddreg [dreg:$0x2];
	[bflag:$0x3] =	sbarrier.arrive $0xFFFF;
	s2 =	simm.s32 @!p0 $0x1C07  }
0x8f: {  	[timem:s3], [sflag:s2] =	dma.local @!p0 [hbm:s0], s1  }
0x90: {  	s0 =	simm.s32 @!p0 $0x7  }
0x91: {  	_ =	swait.ge @!p0 [sflag:s0], s1  }
0x92: {  	s1 =	ssub.s32 @!p0 $0x0, s1;
	[sflag:s0] =	ssyncset.done @!p0 $0x0  }
0x93: {  	[sflag:s0] =	ssyncadd.s32 @!p0 s1  }
0x94: {  	[bflag:$0x3] =	sbarrier.arrive $0xFFFF  }
0x95: {  	_ =	shalt  }

</sc_bundles>
